<compile_context>
chip_gen: v7x
topology: tpu7x:2x2x1
jax: 0.10.2.dev20260603
libtpu: 0.0.44.dev20260713+nightly
codegen_flags: <defaults>
</compile_context>

<pallas_src>
import functools

import jax
import jax.numpy as jnp
import numpy as np
from jax import lax
from jax.experimental import pallas as pl
from jax.experimental.pallas import tpu as pltpu

_IMG_H, _IMG_W = 512, 512
_FH, _FW = 32, 32
_C_IN, _HID = 384, 512
_SIZES = (32.0, 64.0, 128.0)
_RATIOS = (0.5, 1.0, 2.0)
_A = len(_SIZES) * len(_RATIOS)
_L = 8
_PRE_NMS, _POST_NMS = 512, 128
_MIN_SCORE, _IOU_THR, _MIN_SIZE = 0.5, 0.7, 1e-3
_P = _FH * _FW
_NB = _P * _A


def _anchor_boxes():
    sy, sx = _IMG_H / _FH, _IMG_W / _FW
    cy = (jnp.arange(_FH, dtype=jnp.float32) + 0.5) * sy
    cx = (jnp.arange(_FW, dtype=jnp.float32) + 0.5) * sx
    wh = jnp.array([[s / np.sqrt(r), s * np.sqrt(r)] for s in _SIZES for r in _RATIOS],
                   dtype=jnp.float32)
    cyg, cxg = jnp.meshgrid(cy, cx, indexing='ij')
    ctr = jnp.stack([cxg, cyg], axis=-1)
    ctr = jnp.broadcast_to(ctr[:, :, None, :], (_FH, _FW, _A, 2))
    whb = jnp.broadcast_to(wh[None, None, :, :], (_FH, _FW, _A, 2))
    return jnp.concatenate([ctr, whb], axis=-1).reshape(-1, 4)


def _conv_head_body(x_ref, w1_ref, b1_ref, wh_ref, bh_ref, y_ref):
    x = x_ref[0]
    pos = lax.broadcasted_iota(jnp.int32, (1, _P), 1)
    py = pos // _FW
    px = pos % _FW
    acc = jnp.zeros((_HID, _P), jnp.float32)
    for t in range(9):
        ky, kx = t // 3 - 1, t % 3 - 1
        s = ky * _FW + kx
        ok = (py + ky >= 0) & (py + ky < _FH) & (px + kx >= 0) & (px + kx < _FW)
        xs = x if s == 0 else jnp.roll(x, -s, axis=1)
        xs = jnp.where(ok, xs, 0.0)
        acc = acc + lax.dot(w1_ref[t], xs, preferred_element_type=jnp.float32)
    h = jnp.maximum(acc + b1_ref[...], 0.0)
    y_ref[0] = lax.dot(wh_ref[...], h, preferred_element_type=jnp.float32) + bh_ref[...]


def _conv_heads(x, W1, b1, W2, b2, W3, b3):
    w1t = jnp.transpose(W1, (2, 3, 0, 1)).reshape(9, _HID, _C_IN)
    w2r = W2.reshape(_A, _HID)
    w3r = W3.reshape(_A, 4, _HID).transpose(1, 0, 2).reshape(4 * _A, _HID)
    whead = jnp.concatenate([w2r, w3r, jnp.zeros((3, _HID), jnp.float32)], axis=0)
    bhead = jnp.concatenate([b2, b3.reshape(_A, 4).T.reshape(-1),
                             jnp.zeros((3,), jnp.float32)])[:, None]
    return pl.pallas_call(
        _conv_head_body,
        grid=(_L,),
        in_specs=[
            pl.BlockSpec((1, _C_IN, _P), lambda i: (i, 0, 0)),
            pl.BlockSpec((9, _HID, _C_IN), lambda i: (0, 0, 0)),
            pl.BlockSpec((_HID, 1), lambda i: (0, 0)),
            pl.BlockSpec((48, _HID), lambda i: (0, 0)),
            pl.BlockSpec((48, 1), lambda i: (0, 0)),
        ],
        out_specs=pl.BlockSpec((1, 48, _P), lambda i: (i, 0, 0)),
        out_shape=jax.ShapeDtypeStruct((_L, 48, _P), jnp.float32),
    )(x, w1t, b1[:, None], whead, bhead)


def _iou_all(bx):
    x1, y1, x2, y2 = bx[:, 0], bx[:, 1], bx[:, 2], bx[:, 3]
    area = jnp.maximum(x2 - x1, 0.0) * jnp.maximum(y2 - y1, 0.0)
    ix1 = jnp.maximum(x1[:, None], x1[None, :])
    iy1 = jnp.maximum(y1[:, None], y1[None, :])
    ix2 = jnp.minimum(x2[:, None], x2[None, :])
    iy2 = jnp.minimum(y2[:, None], y2[None, :])
    inter = jnp.maximum(ix2 - ix1, 0.0) * jnp.maximum(iy2 - iy1, 0.0)
    return inter / (area[:, None] + area[None, :] - inter + 1e-9)


def _select_one(boxes, scores):
    sc, idx = lax.top_k(scores, _PRE_NMS)
    bx = boxes[idx]
    x1 = jnp.clip(bx[:, 0], 0.0, float(_IMG_W))
    y1 = jnp.clip(bx[:, 1], 0.0, float(_IMG_H))
    x2 = jnp.clip(bx[:, 2], 0.0, float(_IMG_W))
    y2 = jnp.clip(bx[:, 3], 0.0, float(_IMG_H))
    bx = jnp.stack([x1, y1, x2, y2], axis=-1)
    valid = ((x2 - x1) >= _MIN_SIZE) & ((y2 - y1) >= _MIN_SIZE) & (sc >= _MIN_SCORE)
    iou = _iou_all(lax.stop_gradient(bx))
    idxs = jnp.arange(_PRE_NMS)

    def body(i, active):
        sup = (iou[i] > _IOU_THR) & (idxs > i) & active[i] & active
        return active & (~sup)

    active = lax.fori_loop(0, _PRE_NMS, body, valid)
    order = jnp.argsort(jnp.where(active, 0, 1))
    sel = order[:_POST_NMS]
    m = active[sel]
    return bx[sel] * m[:, None].astype(bx.dtype), sc[sel] * m.astype(sc.dtype)


def kernel(feature_maps, W1, b1, W2, b2, W3, b3):
    anchors = _anchor_boxes()
    x = feature_maps.reshape(_L, _C_IN, _P)
    y = _conv_heads(x, W1, b1, W2, b2, W3, b3)
    logits = y[:, 0:9, :].transpose(0, 2, 1).reshape(_L, _NB)
    tx = y[:, 9:18, :].transpose(0, 2, 1).reshape(_L, _NB)
    ty = y[:, 18:27, :].transpose(0, 2, 1).reshape(_L, _NB)
    tw = y[:, 27:36, :].transpose(0, 2, 1).reshape(_L, _NB)
    th = y[:, 36:45, :].transpose(0, 2, 1).reshape(_L, _NB)
    cls = jax.nn.sigmoid(logits)
    acx, acy, aw, ah = anchors[:, 0], anchors[:, 1], anchors[:, 2], anchors[:, 3]
    cx = acx[None] + tx * aw[None]
    cy = acy[None] + ty * ah[None]
    w = aw[None] * jnp.exp(jnp.clip(tw, -10.0, 10.0))
    hh = ah[None] * jnp.exp(jnp.clip(th, -10.0, 10.0))
    boxes = jnp.stack([cx - w / 2, cy - hh / 2, cx + w / 2, cy + hh / 2], axis=-1)
    best_boxes, best_scores = jax.vmap(_select_one)(boxes, cls)
    return best_boxes, best_scores

# --- scband reference (transcript-rebuilt; emitter-appended) ---
"""Pipeline reference for scband-region-proposal-network-15831249453407 (READ-ONLY COPY).

The authoritative reference and input builder live on the scoring server;
editing this copy changes nothing except your own understanding.
"""

import jax, jax.numpy as jnp
import numpy as np
from jax import lax

IMG_H, IMG_W = 512, 512
FH, FW = 32, 32
C_IN, HID = 384, 512
SIZES = (32.0, 64.0, 128.0)
RATIOS = (0.5, 1.0, 2.0)
A = len(SIZES) * len(RATIOS)
L = 8
PRE_NMS, POST_NMS = 512, 128
MIN_SCORE, IOU_THR, MIN_SIZE = 0.5, 0.7, 1e-3


def gen_anchor_boxes():
    sy, sx = IMG_H / FH, IMG_W / FW
    cy = (jnp.arange(FH, dtype=jnp.float32) + 0.5) * sy
    cx = (jnp.arange(FW, dtype=jnp.float32) + 0.5) * sx
    wh = jnp.array([[s / np.sqrt(r), s * np.sqrt(r)] for s in SIZES for r in RATIOS], dtype=jnp.float32)
    cyg, cxg = jnp.meshgrid(cy, cx, indexing='ij')
    ctr = jnp.stack([cxg, cyg], axis=-1)
    ctr = jnp.broadcast_to(ctr[:, :, None, :], (FH, FW, A, 2))
    whb = jnp.broadcast_to(wh[None, None, :, :], (FH, FW, A, 2))
    return jnp.concatenate([ctr, whb], axis=-1).reshape(-1, 4)


def conv2d(x, w, b, pad):
    y = lax.conv_general_dilated(x, w, (1, 1), [(pad, pad), (pad, pad)],
                                 dimension_numbers=('NCHW', 'OIHW', 'NCHW'))
    return y + b[None, :, None, None]


def setup_inputs(seed: int = 0):
    key = jax.random.key(seed)
    ks = jax.random.split(key, 8)
    feature_maps = jax.random.normal(ks[0], (L, 1, C_IN, FH, FW), dtype=jnp.float32)
    W1 = jax.random.normal(ks[1], (HID, C_IN, 3, 3), dtype=jnp.float32) * 0.02
    b1 = jnp.zeros((HID,), jnp.float32)
    W2 = jax.random.normal(ks[2], (A, HID, 1, 1), dtype=jnp.float32) * 0.05
    b2 = jnp.zeros((A,), jnp.float32)
    W3 = jax.random.normal(ks[3], (4 * A, HID, 1, 1), dtype=jnp.float32) * 0.01
    b3 = jnp.zeros((4 * A,), jnp.float32)
    return {'feature_maps': feature_maps, 'W1': W1, 'b1': b1, 'W2': W2, 'b2': b2, 'W3': W3, 'b3': b3}


def _pairwise_iou(bx):
    x1, y1, x2, y2 = bx[:, 0], bx[:, 1], bx[:, 2], bx[:, 3]
    area = jnp.maximum(x2 - x1, 0.0) * jnp.maximum(y2 - y1, 0.0)
    ix1 = jnp.maximum(x1[:, None], x1[None, :])
    iy1 = jnp.maximum(y1[:, None], y1[None, :])
    ix2 = jnp.minimum(x2[:, None], x2[None, :])
    iy2 = jnp.minimum(y2[:, None], y2[None, :])
    inter = jnp.maximum(ix2 - ix1, 0.0) * jnp.maximum(iy2 - iy1, 0.0)
    return inter / (area[:, None] + area[None, :] - inter + 1e-9)


def _nms_keep(bx, valid):
    n = bx.shape[0]
    iou = _pairwise_iou(bx)
    idxs = jnp.arange(n)

    def body(i, active):
        sup = (iou[i] > IOU_THR) & (idxs > i) & active[i] & active
        return active & (~sup)

    return lax.fori_loop(0, n, body, valid)


def _per_image(boxes, scores):
    sc, idx = lax.top_k(scores, PRE_NMS)
    bx = boxes[idx]
    x1 = jnp.clip(bx[:, 0], 0.0, float(IMG_W))
    y1 = jnp.clip(bx[:, 1], 0.0, float(IMG_H))
    x2 = jnp.clip(bx[:, 2], 0.0, float(IMG_W))
    y2 = jnp.clip(bx[:, 3], 0.0, float(IMG_H))
    bx = jnp.stack([x1, y1, x2, y2], axis=-1)
    valid = ((x2 - x1) >= MIN_SIZE) & ((y2 - y1) >= MIN_SIZE) & (sc >= MIN_SCORE)
    active = _nms_keep(lax.stop_gradient(bx), valid)
    order = jnp.argsort(jnp.where(active, 0, 1))
    sel = order[:POST_NMS]
    m = active[sel]
    return bx[sel] * m[:, None].astype(bx.dtype), sc[sel] * m.astype(sc.dtype)


def reference(feature_maps, W1, b1, W2, b2, W3, b3):
    anchors = gen_anchor_boxes()
    x = feature_maps.reshape((-1, C_IN, FH, FW))
    h = jax.nn.relu(conv2d(x, W1, b1, 1))
    cls = jax.nn.sigmoid(conv2d(h, W2, b2, 0))
    off = conv2d(h, W3, b3, 0)
    cls = cls.reshape(L, A, FH * FW).transpose(0, 2, 1).reshape(L, -1)
    off = off.reshape(L, 4 * A, FH * FW).transpose(0, 2, 1).reshape(L, -1, 4)
    acx, acy, aw, ah = anchors[:, 0], anchors[:, 1], anchors[:, 2], anchors[:, 3]
    cx = acx[None] + off[:, :, 0] * aw[None]
    cy = acy[None] + off[:, :, 1] * ah[None]
    w = aw[None] * jnp.exp(jnp.clip(off[:, :, 2], -10.0, 10.0))
    hh = ah[None] * jnp.exp(jnp.clip(off[:, :, 3], -10.0, 10.0))
    boxes = jnp.stack([cx - w / 2, cy - hh / 2, cx + w / 2, cy + hh / 2], axis=-1)
    best_boxes, best_scores = jax.vmap(_per_image)(boxes, cls)
    return best_boxes, best_scores

if __name__ == "__main__":
    import jax
    _d = setup_inputs()
    print(jax.jit(kernel)(*tuple(_d.values())))

</pallas_src>

<mosaic_0001>
module attributes {stable_mosaic.version = 14 : i64} {
  func.func @_conv_head_body(%arg0: i32, %arg1: memref<1x384x1024xf32, #tpu.memory_space<vmem>>, %arg2: memref<9x512x384xf32, #tpu.memory_space<vmem>>, %arg3: memref<512x1xf32, #tpu.memory_space<vmem>>, %arg4: memref<48x512xf32, #tpu.memory_space<vmem>>, %arg5: memref<48x1xf32, #tpu.memory_space<vmem>>, %arg6: memref<1x48x1024xf32, #tpu.memory_space<vmem>>) attributes {dimension_semantics = [#tpu.dimension_semantics<arbitrary>], iteration_bounds = array<i64: 8>, scalar_prefetch = 0 : i64, scratch_operands = 0 : i64, tpu.core_type = #tpu.core_type<tc>, window_params = [{transform_indices = @transform_0, window_bounds = array<i64: 1, 384, 1024>}, {pipeline_mode = #tpu.pipeline_mode<synchronous>, transform_indices = @transform_1, window_bounds = array<i64: 9, 512, 384>}, {pipeline_mode = #tpu.pipeline_mode<synchronous>, transform_indices = @transform_2, window_bounds = array<i64: 512, 1>}, {pipeline_mode = #tpu.pipeline_mode<synchronous>, transform_indices = @transform_3, window_bounds = array<i64: 48, 512>}, {pipeline_mode = #tpu.pipeline_mode<synchronous>, transform_indices = @transform_4, window_bounds = array<i64: 48, 1>}, {transform_indices = @transform_5, window_bounds = array<i64: 1, 48, 1024>}]} {
    %get3A = arith.constant 0 : index
    %get3A_0 = arith.constant 0 : index
    %get3A_1 = arith.constant 0 : index
    %get3A_2 = vector.load %arg1[%get3A, %get3A_0, %get3A_1] : memref<1x384x1024xf32, #tpu.memory_space<vmem>>, vector<1x384x1024xf32>
    %get3A_3 = vector.shape_cast %get3A_2 : vector<1x384x1024xf32> to vector<384x1024xf32>
    %iota3A = tpu.iota {dimensions = array<i32: 1>} : vector<1x1024xi32>
    %jit3A = arith.constant 32 : i32
    %div3A = vector.broadcast %jit3A : i32 to vector<1x1024xi32>
    %div3A_4 = arith.divsi %iota3A, %div3A : vector<1x1024xi32>
    %sign3A = arith.constant 0 : i32
    %sign3A_5 = vector.broadcast %sign3A : i32 to vector<1x1024xi32>
    %sign3A_6 = arith.cmpi sgt, %iota3A, %sign3A_5 : vector<1x1024xi32>
    %sign3A_7 = arith.extui %sign3A_6 : vector<1x1024xi1> to vector<1x1024xi32>
    %sign3A_8 = arith.constant 0 : i32
    %sign3A_9 = vector.broadcast %sign3A_8 : i32 to vector<1x1024xi32>
    %sign3A_10 = arith.cmpi slt, %iota3A, %sign3A_9 : vector<1x1024xi32>
    %sign3A_11 = arith.extui %sign3A_10 : vector<1x1024xi1> to vector<1x1024xi32>
    %sign3A_12 = arith.subi %sign3A_7, %sign3A_11 : vector<1x1024xi32>
    %sign3A_13 = arith.constant 0 : i32
    %sign3A_14 = arith.cmpi sgt, %jit3A, %sign3A_13 : i32
    %sign3A_15 = arith.extui %sign3A_14 : i1 to i32
    %sign3A_16 = arith.constant 0 : i32
    %sign3A_17 = arith.cmpi slt, %jit3A, %sign3A_16 : i32
    %sign3A_18 = arith.extui %sign3A_17 : i1 to i32
    %sign3A_19 = arith.subi %sign3A_15, %sign3A_18 : i32
    %ne3A = vector.broadcast %sign3A_19 : i32 to vector<1x1024xi32>
    %ne3A_20 = arith.cmpi ne, %sign3A_12, %ne3A : vector<1x1024xi32>
    %rem3A = vector.broadcast %jit3A : i32 to vector<1x1024xi32>
    %rem3A_21 = arith.remsi %iota3A, %rem3A : vector<1x1024xi32>
    %ne3A_22 = arith.constant 0 : i32
    %ne3A_23 = vector.broadcast %ne3A_22 : i32 to vector<1x1024xi32>
    %ne3A_24 = arith.cmpi ne, %rem3A_21, %ne3A_23 : vector<1x1024xi32>
    %and3A = arith.andi %ne3A_20, %ne3A_24 : vector<1x1024xi1>
    %sub3A = arith.constant 1 : i32
    %sub3A_25 = vector.broadcast %sub3A : i32 to vector<1x1024xi32>
    %sub3A_26 = arith.subi %div3A_4, %sub3A_25 : vector<1x1024xi32>
    %select_n3A = arith.select %and3A, %sub3A_26, %div3A_4 : vector<1x1024xi1>, vector<1x1024xi32>
    %jit3A_27 = arith.constant 32 : i32
    %eq3A = arith.constant 0 : i32
    %eq3A_28 = arith.cmpi eq, %jit3A_27, %eq3A : i32
    %jit3A_29 = arith.constant 1 : i32
    %select_n3A_30 = arith.select %eq3A_28, %jit3A_29, %jit3A_27 : i32
    %rem3A_31 = vector.broadcast %select_n3A_30 : i32 to vector<1x1024xi32>
    %rem3A_32 = arith.remsi %iota3A, %rem3A_31 : vector<1x1024xi32>
    %ne3A_33 = arith.constant 0 : i32
    %ne3A_34 = vector.broadcast %ne3A_33 : i32 to vector<1x1024xi32>
    %ne3A_35 = arith.cmpi ne, %rem3A_32, %ne3A_34 : vector<1x1024xi32>
    %lt3A = arith.constant 0 : i32
    %lt3A_36 = vector.broadcast %lt3A : i32 to vector<1x1024xi32>
    %lt3A_37 = arith.cmpi slt, %rem3A_32, %lt3A_36 : vector<1x1024xi32>
    %lt3A_38 = arith.constant 0 : i32
    %lt3A_39 = arith.cmpi slt, %select_n3A_30, %lt3A_38 : i32
    %ne3A_40 = vector.broadcast %lt3A_39 : i1 to vector<1x1024xi1>
    %ne3A_41 = vector.broadcast %ne3A_40 : vector<1x1024xi1> to vector<1x1024xi1>
    %ne3A_42 = arith.xori %lt3A_37, %ne3A_41 : vector<1x1024xi1>
    %and3A_43 = arith.andi %ne3A_42, %ne3A_35 : vector<1x1024xi1>
    %add3A = vector.broadcast %select_n3A_30 : i32 to vector<1x1024xi32>
    %add3A_44 = arith.addi %rem3A_32, %add3A : vector<1x1024xi32>
    %select_n3A_45 = arith.select %and3A_43, %add3A_44, %rem3A_32 : vector<1x1024xi1>, vector<1x1024xi32>
    %broadcast_in_dim3A = arith.constant 0.000000e+00 : f32
    %broadcast_in_dim3A_46 = vector.broadcast %broadcast_in_dim3A : f32 to vector<512x1024xf32>
    %add3A_47 = arith.constant -1 : i32
    %add3A_48 = vector.broadcast %add3A_47 : i32 to vector<1x1024xi32>
    %add3A_49 = arith.addi %select_n3A, %add3A_48 : vector<1x1024xi32>
    %ge3A = arith.constant 0 : i32
    %ge3A_50 = vector.broadcast %ge3A : i32 to vector<1x1024xi32>
    %ge3A_51 = arith.cmpi sge, %add3A_49, %ge3A_50 : vector<1x1024xi32>
    %add3A_52 = arith.constant -1 : i32
    %add3A_53 = vector.broadcast %add3A_52 : i32 to vector<1x1024xi32>
    %add3A_54 = arith.addi %select_n3A, %add3A_53 : vector<1x1024xi32>
    %lt3A_55 = arith.constant 32 : i32
    %lt3A_56 = vector.broadcast %lt3A_55 : i32 to vector<1x1024xi32>
    %lt3A_57 = arith.cmpi slt, %add3A_54, %lt3A_56 : vector<1x1024xi32>
    %and3A_58 = arith.andi %ge3A_51, %lt3A_57 : vector<1x1024xi1>
    %add3A_59 = arith.constant -1 : i32
    %add3A_60 = vector.broadcast %add3A_59 : i32 to vector<1x1024xi32>
    %add3A_61 = arith.addi %select_n3A_45, %add3A_60 : vector<1x1024xi32>
    %ge3A_62 = arith.constant 0 : i32
    %ge3A_63 = vector.broadcast %ge3A_62 : i32 to vector<1x1024xi32>
    %ge3A_64 = arith.cmpi sge, %add3A_61, %ge3A_63 : vector<1x1024xi32>
    %and3A_65 = arith.andi %and3A_58, %ge3A_64 : vector<1x1024xi1>
    %add3A_66 = arith.constant -1 : i32
    %add3A_67 = vector.broadcast %add3A_66 : i32 to vector<1x1024xi32>
    %add3A_68 = arith.addi %select_n3A_45, %add3A_67 : vector<1x1024xi32>
    %lt3A_69 = arith.constant 32 : i32
    %lt3A_70 = vector.broadcast %lt3A_69 : i32 to vector<1x1024xi32>
    %lt3A_71 = arith.cmpi slt, %add3A_68, %lt3A_70 : vector<1x1024xi32>
    %and3A_72 = arith.andi %and3A_65, %lt3A_71 : vector<1x1024xi1>
    %slice3A = vector.extract_strided_slice %get3A_3 {offsets = [0, 991], sizes = [384, 33], strides = [1, 1]} : vector<384x1024xf32> to vector<384x33xf32>
    %slice3A_73 = vector.extract_strided_slice %get3A_3 {offsets = [0, 0], sizes = [384, 991], strides = [1, 1]} : vector<384x1024xf32> to vector<384x991xf32>
    %concatenate3A = tpu.concatenate %slice3A, %slice3A_73 in 1 : vector<384x33xf32>, vector<384x991xf32> -> vector<384x1024xf32>
    %jit3A_74 = arith.constant 0.000000e+00 : f32
    %broadcast_in_dim3A_75 = vector.shape_cast %and3A_72 : vector<1x1024xi1> to vector<1x1024xi1>
    %broadcast_in_dim3A_76 = vector.broadcast %broadcast_in_dim3A_75 : vector<1x1024xi1> to vector<384x1024xi1>
    %broadcast_in_dim3A_77 = vector.broadcast %jit3A_74 : f32 to vector<384x1024xf32>
    %select_n3A_78 = arith.select %broadcast_in_dim3A_76, %concatenate3A, %broadcast_in_dim3A_77 : vector<384x1024xi1>, vector<384x1024xf32>
    %get3A_79 = arith.constant 0 : index
    %get3A_80 = arith.constant 0 : index
    %get3A_81 = arith.constant 0 : index
    %get3A_82 = vector.load %arg2[%get3A_79, %get3A_80, %get3A_81] : memref<9x512x384xf32, #tpu.memory_space<vmem>>, vector<1x512x384xf32>
    %get3A_83 = vector.shape_cast %get3A_82 : vector<1x512x384xf32> to vector<512x384xf32>
    %dot_general3A = arith.constant dense<0.000000e+00> : vector<512x1024xf32>
    %dot_general3A_84 = tpu.matmul %get3A_83, %select_n3A_78, %dot_general3A {dimension_numbers = #tpu.dot_dimension_numbers<[1], [0], [0], [1], [0, 0, 1, 1], [], []>, transpose_lhs_hint = false} : vector<512x384xf32>, vector<384x1024xf32>, vector<512x1024xf32> -> vector<512x1024xf32>
    %add3A_85 = arith.addf %broadcast_in_dim3A_46, %dot_general3A_84 : vector<512x1024xf32>
    %add3A_86 = arith.constant -1 : i32
    %add3A_87 = vector.broadcast %add3A_86 : i32 to vector<1x1024xi32>
    %add3A_88 = arith.addi %select_n3A, %add3A_87 : vector<1x1024xi32>
    %ge3A_89 = arith.constant 0 : i32
    %ge3A_90 = vector.broadcast %ge3A_89 : i32 to vector<1x1024xi32>
    %ge3A_91 = arith.cmpi sge, %add3A_88, %ge3A_90 : vector<1x1024xi32>
    %add3A_92 = arith.constant -1 : i32
    %add3A_93 = vector.broadcast %add3A_92 : i32 to vector<1x1024xi32>
    %add3A_94 = arith.addi %select_n3A, %add3A_93 : vector<1x1024xi32>
    %lt3A_95 = arith.constant 32 : i32
    %lt3A_96 = vector.broadcast %lt3A_95 : i32 to vector<1x1024xi32>
    %lt3A_97 = arith.cmpi slt, %add3A_94, %lt3A_96 : vector<1x1024xi32>
    %and3A_98 = arith.andi %ge3A_91, %lt3A_97 : vector<1x1024xi1>
    %add3A_99 = arith.constant 0 : i32
    %add3A_100 = vector.broadcast %add3A_99 : i32 to vector<1x1024xi32>
    %add3A_101 = arith.addi %select_n3A_45, %add3A_100 : vector<1x1024xi32>
    %ge3A_102 = arith.constant 0 : i32
    %ge3A_103 = vector.broadcast %ge3A_102 : i32 to vector<1x1024xi32>
    %ge3A_104 = arith.cmpi sge, %add3A_101, %ge3A_103 : vector<1x1024xi32>
    %and3A_105 = arith.andi %and3A_98, %ge3A_104 : vector<1x1024xi1>
    %add3A_106 = arith.constant 0 : i32
    %add3A_107 = vector.broadcast %add3A_106 : i32 to vector<1x1024xi32>
    %add3A_108 = arith.addi %select_n3A_45, %add3A_107 : vector<1x1024xi32>
    %lt3A_109 = arith.constant 32 : i32
    %lt3A_110 = vector.broadcast %lt3A_109 : i32 to vector<1x1024xi32>
    %lt3A_111 = arith.cmpi slt, %add3A_108, %lt3A_110 : vector<1x1024xi32>
    %and3A_112 = arith.andi %and3A_105, %lt3A_111 : vector<1x1024xi1>
    %slice3A_113 = vector.extract_strided_slice %get3A_3 {offsets = [0, 992], sizes = [384, 32], strides = [1, 1]} : vector<384x1024xf32> to vector<384x32xf32>
    %slice3A_114 = vector.extract_strided_slice %get3A_3 {offsets = [0, 0], sizes = [384, 992], strides = [1, 1]} : vector<384x1024xf32> to vector<384x992xf32>
    %concatenate3A_115 = tpu.concatenate %slice3A_113, %slice3A_114 in 1 : vector<384x32xf32>, vector<384x992xf32> -> vector<384x1024xf32>
    %jit3A_116 = arith.constant 0.000000e+00 : f32
    %broadcast_in_dim3A_117 = vector.shape_cast %and3A_112 : vector<1x1024xi1> to vector<1x1024xi1>
    %broadcast_in_dim3A_118 = vector.broadcast %broadcast_in_dim3A_117 : vector<1x1024xi1> to vector<384x1024xi1>
    %broadcast_in_dim3A_119 = vector.broadcast %jit3A_116 : f32 to vector<384x1024xf32>
    %select_n3A_120 = arith.select %broadcast_in_dim3A_118, %concatenate3A_115, %broadcast_in_dim3A_119 : vector<384x1024xi1>, vector<384x1024xf32>
    %get3A_121 = arith.constant 1 : index
    %get3A_122 = arith.constant 0 : index
    %get3A_123 = arith.constant 0 : index
    %get3A_124 = vector.load %arg2[%get3A_121, %get3A_122, %get3A_123] : memref<9x512x384xf32, #tpu.memory_space<vmem>>, vector<1x512x384xf32>
    %get3A_125 = vector.shape_cast %get3A_124 : vector<1x512x384xf32> to vector<512x384xf32>
    %dot_general3A_126 = arith.constant dense<0.000000e+00> : vector<512x1024xf32>
    %dot_general3A_127 = tpu.matmul %get3A_125, %select_n3A_120, %dot_general3A_126 {dimension_numbers = #tpu.dot_dimension_numbers<[1], [0], [0], [1], [0, 0, 1, 1], [], []>, transpose_lhs_hint = false} : vector<512x384xf32>, vector<384x1024xf32>, vector<512x1024xf32> -> vector<512x1024xf32>
    %add3A_128 = arith.addf %add3A_85, %dot_general3A_127 : vector<512x1024xf32>
    %add3A_129 = arith.constant -1 : i32
    %add3A_130 = vector.broadcast %add3A_129 : i32 to vector<1x1024xi32>
    %add3A_131 = arith.addi %select_n3A, %add3A_130 : vector<1x1024xi32>
    %ge3A_132 = arith.constant 0 : i32
    %ge3A_133 = vector.broadcast %ge3A_132 : i32 to vector<1x1024xi32>
    %ge3A_134 = arith.cmpi sge, %add3A_131, %ge3A_133 : vector<1x1024xi32>
    %add3A_135 = arith.constant -1 : i32
    %add3A_136 = vector.broadcast %add3A_135 : i32 to vector<1x1024xi32>
    %add3A_137 = arith.addi %select_n3A, %add3A_136 : vector<1x1024xi32>
    %lt3A_138 = arith.constant 32 : i32
    %lt3A_139 = vector.broadcast %lt3A_138 : i32 to vector<1x1024xi32>
    %lt3A_140 = arith.cmpi slt, %add3A_137, %lt3A_139 : vector<1x1024xi32>
    %and3A_141 = arith.andi %ge3A_134, %lt3A_140 : vector<1x1024xi1>
    %add3A_142 = arith.constant 1 : i32
    %add3A_143 = vector.broadcast %add3A_142 : i32 to vector<1x1024xi32>
    %add3A_144 = arith.addi %select_n3A_45, %add3A_143 : vector<1x1024xi32>
    %ge3A_145 = arith.constant 0 : i32
    %ge3A_146 = vector.broadcast %ge3A_145 : i32 to vector<1x1024xi32>
    %ge3A_147 = arith.cmpi sge, %add3A_144, %ge3A_146 : vector<1x1024xi32>
    %and3A_148 = arith.andi %and3A_141, %ge3A_147 : vector<1x1024xi1>
    %add3A_149 = arith.constant 1 : i32
    %add3A_150 = vector.broadcast %add3A_149 : i32 to vector<1x1024xi32>
    %add3A_151 = arith.addi %select_n3A_45, %add3A_150 : vector<1x1024xi32>
    %lt3A_152 = arith.constant 32 : i32
    %lt3A_153 = vector.broadcast %lt3A_152 : i32 to vector<1x1024xi32>
    %lt3A_154 = arith.cmpi slt, %add3A_151, %lt3A_153 : vector<1x1024xi32>
    %and3A_155 = arith.andi %and3A_148, %lt3A_154 : vector<1x1024xi1>
    %slice3A_156 = vector.extract_strided_slice %get3A_3 {offsets = [0, 993], sizes = [384, 31], strides = [1, 1]} : vector<384x1024xf32> to vector<384x31xf32>
    %slice3A_157 = vector.extract_strided_slice %get3A_3 {offsets = [0, 0], sizes = [384, 993], strides = [1, 1]} : vector<384x1024xf32> to vector<384x993xf32>
    %concatenate3A_158 = tpu.concatenate %slice3A_156, %slice3A_157 in 1 : vector<384x31xf32>, vector<384x993xf32> -> vector<384x1024xf32>
    %jit3A_159 = arith.constant 0.000000e+00 : f32
    %broadcast_in_dim3A_160 = vector.shape_cast %and3A_155 : vector<1x1024xi1> to vector<1x1024xi1>
    %broadcast_in_dim3A_161 = vector.broadcast %broadcast_in_dim3A_160 : vector<1x1024xi1> to vector<384x1024xi1>
    %broadcast_in_dim3A_162 = vector.broadcast %jit3A_159 : f32 to vector<384x1024xf32>
    %select_n3A_163 = arith.select %broadcast_in_dim3A_161, %concatenate3A_158, %broadcast_in_dim3A_162 : vector<384x1024xi1>, vector<384x1024xf32>
    %get3A_164 = arith.constant 2 : index
    %get3A_165 = arith.constant 0 : index
    %get3A_166 = arith.constant 0 : index
    %get3A_167 = vector.load %arg2[%get3A_164, %get3A_165, %get3A_166] : memref<9x512x384xf32, #tpu.memory_space<vmem>>, vector<1x512x384xf32>
    %get3A_168 = vector.shape_cast %get3A_167 : vector<1x512x384xf32> to vector<512x384xf32>
    %dot_general3A_169 = arith.constant dense<0.000000e+00> : vector<512x1024xf32>
    %dot_general3A_170 = tpu.matmul %get3A_168, %select_n3A_163, %dot_general3A_169 {dimension_numbers = #tpu.dot_dimension_numbers<[1], [0], [0], [1], [0, 0, 1, 1], [], []>, transpose_lhs_hint = false} : vector<512x384xf32>, vector<384x1024xf32>, vector<512x1024xf32> -> vector<512x1024xf32>
    %add3A_171 = arith.addf %add3A_128, %dot_general3A_170 : vector<512x1024xf32>
    %add3A_172 = arith.constant 0 : i32
    %add3A_173 = vector.broadcast %add3A_172 : i32 to vector<1x1024xi32>
    %add3A_174 = arith.addi %select_n3A, %add3A_173 : vector<1x1024xi32>
    %ge3A_175 = arith.constant 0 : i32
    %ge3A_176 = vector.broadcast %ge3A_175 : i32 to vector<1x1024xi32>
    %ge3A_177 = arith.cmpi sge, %add3A_174, %ge3A_176 : vector<1x1024xi32>
    %add3A_178 = arith.constant 0 : i32
    %add3A_179 = vector.broadcast %add3A_178 : i32 to vector<1x1024xi32>
    %add3A_180 = arith.addi %select_n3A, %add3A_179 : vector<1x1024xi32>
    %lt3A_181 = arith.constant 32 : i32
    %lt3A_182 = vector.broadcast %lt3A_181 : i32 to vector<1x1024xi32>
    %lt3A_183 = arith.cmpi slt, %add3A_180, %lt3A_182 : vector<1x1024xi32>
    %and3A_184 = arith.andi %ge3A_177, %lt3A_183 : vector<1x1024xi1>
    %add3A_185 = arith.constant -1 : i32
    %add3A_186 = vector.broadcast %add3A_185 : i32 to vector<1x1024xi32>
    %add3A_187 = arith.addi %select_n3A_45, %add3A_186 : vector<1x1024xi32>
    %ge3A_188 = arith.constant 0 : i32
    %ge3A_189 = vector.broadcast %ge3A_188 : i32 to vector<1x1024xi32>
    %ge3A_190 = arith.cmpi sge, %add3A_187, %ge3A_189 : vector<1x1024xi32>
    %and3A_191 = arith.andi %and3A_184, %ge3A_190 : vector<1x1024xi1>
    %add3A_192 = arith.constant -1 : i32
    %add3A_193 = vector.broadcast %add3A_192 : i32 to vector<1x1024xi32>
    %add3A_194 = arith.addi %select_n3A_45, %add3A_193 : vector<1x1024xi32>
    %lt3A_195 = arith.constant 32 : i32
    %lt3A_196 = vector.broadcast %lt3A_195 : i32 to vector<1x1024xi32>
    %lt3A_197 = arith.cmpi slt, %add3A_194, %lt3A_196 : vector<1x1024xi32>
    %and3A_198 = arith.andi %and3A_191, %lt3A_197 : vector<1x1024xi1>
    %slice3A_199 = vector.extract_strided_slice %get3A_3 {offsets = [0, 1023], sizes = [384, 1], strides = [1, 1]} : vector<384x1024xf32> to vector<384x1xf32>
    %slice3A_200 = vector.extract_strided_slice %get3A_3 {offsets = [0, 0], sizes = [384, 1023], strides = [1, 1]} : vector<384x1024xf32> to vector<384x1023xf32>
    %concatenate3A_201 = tpu.concatenate %slice3A_199, %slice3A_200 in 1 : vector<384x1xf32>, vector<384x1023xf32> -> vector<384x1024xf32>
    %jit3A_202 = arith.constant 0.000000e+00 : f32
    %broadcast_in_dim3A_203 = vector.shape_cast %and3A_198 : vector<1x1024xi1> to vector<1x1024xi1>
    %broadcast_in_dim3A_204 = vector.broadcast %broadcast_in_dim3A_203 : vector<1x1024xi1> to vector<384x1024xi1>
    %broadcast_in_dim3A_205 = vector.broadcast %jit3A_202 : f32 to vector<384x1024xf32>
    %select_n3A_206 = arith.select %broadcast_in_dim3A_204, %concatenate3A_201, %broadcast_in_dim3A_205 : vector<384x1024xi1>, vector<384x1024xf32>
    %get3A_207 = arith.constant 3 : index
    %get3A_208 = arith.constant 0 : index
    %get3A_209 = arith.constant 0 : index
    %get3A_210 = vector.load %arg2[%get3A_207, %get3A_208, %get3A_209] : memref<9x512x384xf32, #tpu.memory_space<vmem>>, vector<1x512x384xf32>
    %get3A_211 = vector.shape_cast %get3A_210 : vector<1x512x384xf32> to vector<512x384xf32>
    %dot_general3A_212 = arith.constant dense<0.000000e+00> : vector<512x1024xf32>
    %dot_general3A_213 = tpu.matmul %get3A_211, %select_n3A_206, %dot_general3A_212 {dimension_numbers = #tpu.dot_dimension_numbers<[1], [0], [0], [1], [0, 0, 1, 1], [], []>, transpose_lhs_hint = false} : vector<512x384xf32>, vector<384x1024xf32>, vector<512x1024xf32> -> vector<512x1024xf32>
    %add3A_214 = arith.addf %add3A_171, %dot_general3A_213 : vector<512x1024xf32>
    %add3A_215 = arith.constant 0 : i32
    %add3A_216 = vector.broadcast %add3A_215 : i32 to vector<1x1024xi32>
    %add3A_217 = arith.addi %select_n3A, %add3A_216 : vector<1x1024xi32>
    %ge3A_218 = arith.constant 0 : i32
    %ge3A_219 = vector.broadcast %ge3A_218 : i32 to vector<1x1024xi32>
    %ge3A_220 = arith.cmpi sge, %add3A_217, %ge3A_219 : vector<1x1024xi32>
    %add3A_221 = arith.constant 0 : i32
    %add3A_222 = vector.broadcast %add3A_221 : i32 to vector<1x1024xi32>
    %add3A_223 = arith.addi %select_n3A, %add3A_222 : vector<1x1024xi32>
    %lt3A_224 = arith.constant 32 : i32
    %lt3A_225 = vector.broadcast %lt3A_224 : i32 to vector<1x1024xi32>
    %lt3A_226 = arith.cmpi slt, %add3A_223, %lt3A_225 : vector<1x1024xi32>
    %and3A_227 = arith.andi %ge3A_220, %lt3A_226 : vector<1x1024xi1>
    %add3A_228 = arith.constant 0 : i32
    %add3A_229 = vector.broadcast %add3A_228 : i32 to vector<1x1024xi32>
    %add3A_230 = arith.addi %select_n3A_45, %add3A_229 : vector<1x1024xi32>
    %ge3A_231 = arith.constant 0 : i32
    %ge3A_232 = vector.broadcast %ge3A_231 : i32 to vector<1x1024xi32>
    %ge3A_233 = arith.cmpi sge, %add3A_230, %ge3A_232 : vector<1x1024xi32>
    %and3A_234 = arith.andi %and3A_227, %ge3A_233 : vector<1x1024xi1>
    %add3A_235 = arith.constant 0 : i32
    %add3A_236 = vector.broadcast %add3A_235 : i32 to vector<1x1024xi32>
    %add3A_237 = arith.addi %select_n3A_45, %add3A_236 : vector<1x1024xi32>
    %lt3A_238 = arith.constant 32 : i32
    %lt3A_239 = vector.broadcast %lt3A_238 : i32 to vector<1x1024xi32>
    %lt3A_240 = arith.cmpi slt, %add3A_237, %lt3A_239 : vector<1x1024xi32>
    %and3A_241 = arith.andi %and3A_234, %lt3A_240 : vector<1x1024xi1>
    %jit3A_242 = arith.constant 0.000000e+00 : f32
    %broadcast_in_dim3A_243 = vector.shape_cast %and3A_241 : vector<1x1024xi1> to vector<1x1024xi1>
    %broadcast_in_dim3A_244 = vector.broadcast %broadcast_in_dim3A_243 : vector<1x1024xi1> to vector<384x1024xi1>
    %broadcast_in_dim3A_245 = vector.broadcast %jit3A_242 : f32 to vector<384x1024xf32>
    %select_n3A_246 = arith.select %broadcast_in_dim3A_244, %get3A_3, %broadcast_in_dim3A_245 : vector<384x1024xi1>, vector<384x1024xf32>
    %get3A_247 = arith.constant 4 : index
    %get3A_248 = arith.constant 0 : index
    %get3A_249 = arith.constant 0 : index
    %get3A_250 = vector.load %arg2[%get3A_247, %get3A_248, %get3A_249] : memref<9x512x384xf32, #tpu.memory_space<vmem>>, vector<1x512x384xf32>
    %get3A_251 = vector.shape_cast %get3A_250 : vector<1x512x384xf32> to vector<512x384xf32>
    %dot_general3A_252 = arith.constant dense<0.000000e+00> : vector<512x1024xf32>
    %dot_general3A_253 = tpu.matmul %get3A_251, %select_n3A_246, %dot_general3A_252 {dimension_numbers = #tpu.dot_dimension_numbers<[1], [0], [0], [1], [0, 0, 1, 1], [], []>, transpose_lhs_hint = false} : vector<512x384xf32>, vector<384x1024xf32>, vector<512x1024xf32> -> vector<512x1024xf32>
    %add3A_254 = arith.addf %add3A_214, %dot_general3A_253 : vector<512x1024xf32>
    %add3A_255 = arith.constant 0 : i32
    %add3A_256 = vector.broadcast %add3A_255 : i32 to vector<1x1024xi32>
    %add3A_257 = arith.addi %select_n3A, %add3A_256 : vector<1x1024xi32>
    %ge3A_258 = arith.constant 0 : i32
    %ge3A_259 = vector.broadcast %ge3A_258 : i32 to vector<1x1024xi32>
    %ge3A_260 = arith.cmpi sge, %add3A_257, %ge3A_259 : vector<1x1024xi32>
    %add3A_261 = arith.constant 0 : i32
    %add3A_262 = vector.broadcast %add3A_261 : i32 to vector<1x1024xi32>
    %add3A_263 = arith.addi %select_n3A, %add3A_262 : vector<1x1024xi32>
    %lt3A_264 = arith.constant 32 : i32
    %lt3A_265 = vector.broadcast %lt3A_264 : i32 to vector<1x1024xi32>
    %lt3A_266 = arith.cmpi slt, %add3A_263, %lt3A_265 : vector<1x1024xi32>
    %and3A_267 = arith.andi %ge3A_260, %lt3A_266 : vector<1x1024xi1>
    %add3A_268 = arith.constant 1 : i32
    %add3A_269 = vector.broadcast %add3A_268 : i32 to vector<1x1024xi32>
    %add3A_270 = arith.addi %select_n3A_45, %add3A_269 : vector<1x1024xi32>
    %ge3A_271 = arith.constant 0 : i32
    %ge3A_272 = vector.broadcast %ge3A_271 : i32 to vector<1x1024xi32>
    %ge3A_273 = arith.cmpi sge, %add3A_270, %ge3A_272 : vector<1x1024xi32>
    %and3A_274 = arith.andi %and3A_267, %ge3A_273 : vector<1x1024xi1>
    %add3A_275 = arith.constant 1 : i32
    %add3A_276 = vector.broadcast %add3A_275 : i32 to vector<1x1024xi32>
    %add3A_277 = arith.addi %select_n3A_45, %add3A_276 : vector<1x1024xi32>
    %lt3A_278 = arith.constant 32 : i32
    %lt3A_279 = vector.broadcast %lt3A_278 : i32 to vector<1x1024xi32>
    %lt3A_280 = arith.cmpi slt, %add3A_277, %lt3A_279 : vector<1x1024xi32>
    %and3A_281 = arith.andi %and3A_274, %lt3A_280 : vector<1x1024xi1>
    %slice3A_282 = vector.extract_strided_slice %get3A_3 {offsets = [0, 1], sizes = [384, 1023], strides = [1, 1]} : vector<384x1024xf32> to vector<384x1023xf32>
    %slice3A_283 = vector.extract_strided_slice %get3A_3 {offsets = [0, 0], sizes = [384, 1], strides = [1, 1]} : vector<384x1024xf32> to vector<384x1xf32>
    %concatenate3A_284 = tpu.concatenate %slice3A_282, %slice3A_283 in 1 : vector<384x1023xf32>, vector<384x1xf32> -> vector<384x1024xf32>
    %jit3A_285 = arith.constant 0.000000e+00 : f32
    %broadcast_in_dim3A_286 = vector.shape_cast %and3A_281 : vector<1x1024xi1> to vector<1x1024xi1>
    %broadcast_in_dim3A_287 = vector.broadcast %broadcast_in_dim3A_286 : vector<1x1024xi1> to vector<384x1024xi1>
    %broadcast_in_dim3A_288 = vector.broadcast %jit3A_285 : f32 to vector<384x1024xf32>
    %select_n3A_289 = arith.select %broadcast_in_dim3A_287, %concatenate3A_284, %broadcast_in_dim3A_288 : vector<384x1024xi1>, vector<384x1024xf32>
    %get3A_290 = arith.constant 5 : index
    %get3A_291 = arith.constant 0 : index
    %get3A_292 = arith.constant 0 : index
    %get3A_293 = vector.load %arg2[%get3A_290, %get3A_291, %get3A_292] : memref<9x512x384xf32, #tpu.memory_space<vmem>>, vector<1x512x384xf32>
    %get3A_294 = vector.shape_cast %get3A_293 : vector<1x512x384xf32> to vector<512x384xf32>
    %dot_general3A_295 = arith.constant dense<0.000000e+00> : vector<512x1024xf32>
    %dot_general3A_296 = tpu.matmul %get3A_294, %select_n3A_289, %dot_general3A_295 {dimension_numbers = #tpu.dot_dimension_numbers<[1], [0], [0], [1], [0, 0, 1, 1], [], []>, transpose_lhs_hint = false} : vector<512x384xf32>, vector<384x1024xf32>, vector<512x1024xf32> -> vector<512x1024xf32>
    %add3A_297 = arith.addf %add3A_254, %dot_general3A_296 : vector<512x1024xf32>
    %add3A_298 = arith.constant 1 : i32
    %add3A_299 = vector.broadcast %add3A_298 : i32 to vector<1x1024xi32>
    %add3A_300 = arith.addi %select_n3A, %add3A_299 : vector<1x1024xi32>
    %ge3A_301 = arith.constant 0 : i32
    %ge3A_302 = vector.broadcast %ge3A_301 : i32 to vector<1x1024xi32>
    %ge3A_303 = arith.cmpi sge, %add3A_300, %ge3A_302 : vector<1x1024xi32>
    %add3A_304 = arith.constant 1 : i32
    %add3A_305 = vector.broadcast %add3A_304 : i32 to vector<1x1024xi32>
    %add3A_306 = arith.addi %select_n3A, %add3A_305 : vector<1x1024xi32>
    %lt3A_307 = arith.constant 32 : i32
    %lt3A_308 = vector.broadcast %lt3A_307 : i32 to vector<1x1024xi32>
    %lt3A_309 = arith.cmpi slt, %add3A_306, %lt3A_308 : vector<1x1024xi32>
    %and3A_310 = arith.andi %ge3A_303, %lt3A_309 : vector<1x1024xi1>
    %add3A_311 = arith.constant -1 : i32
    %add3A_312 = vector.broadcast %add3A_311 : i32 to vector<1x1024xi32>
    %add3A_313 = arith.addi %select_n3A_45, %add3A_312 : vector<1x1024xi32>
    %ge3A_314 = arith.constant 0 : i32
    %ge3A_315 = vector.broadcast %ge3A_314 : i32 to vector<1x1024xi32>
    %ge3A_316 = arith.cmpi sge, %add3A_313, %ge3A_315 : vector<1x1024xi32>
    %and3A_317 = arith.andi %and3A_310, %ge3A_316 : vector<1x1024xi1>
    %add3A_318 = arith.constant -1 : i32
    %add3A_319 = vector.broadcast %add3A_318 : i32 to vector<1x1024xi32>
    %add3A_320 = arith.addi %select_n3A_45, %add3A_319 : vector<1x1024xi32>
    %lt3A_321 = arith.constant 32 : i32
    %lt3A_322 = vector.broadcast %lt3A_321 : i32 to vector<1x1024xi32>
    %lt3A_323 = arith.cmpi slt, %add3A_320, %lt3A_322 : vector<1x1024xi32>
    %and3A_324 = arith.andi %and3A_317, %lt3A_323 : vector<1x1024xi1>
    %slice3A_325 = vector.extract_strided_slice %get3A_3 {offsets = [0, 31], sizes = [384, 993], strides = [1, 1]} : vector<384x1024xf32> to vector<384x993xf32>
    %slice3A_326 = vector.extract_strided_slice %get3A_3 {offsets = [0, 0], sizes = [384, 31], strides = [1, 1]} : vector<384x1024xf32> to vector<384x31xf32>
    %concatenate3A_327 = tpu.concatenate %slice3A_325, %slice3A_326 in 1 : vector<384x993xf32>, vector<384x31xf32> -> vector<384x1024xf32>
    %jit3A_328 = arith.constant 0.000000e+00 : f32
    %broadcast_in_dim3A_329 = vector.shape_cast %and3A_324 : vector<1x1024xi1> to vector<1x1024xi1>
    %broadcast_in_dim3A_330 = vector.broadcast %broadcast_in_dim3A_329 : vector<1x1024xi1> to vector<384x1024xi1>
    %broadcast_in_dim3A_331 = vector.broadcast %jit3A_328 : f32 to vector<384x1024xf32>
    %select_n3A_332 = arith.select %broadcast_in_dim3A_330, %concatenate3A_327, %broadcast_in_dim3A_331 : vector<384x1024xi1>, vector<384x1024xf32>
    %get3A_333 = arith.constant 6 : index
    %get3A_334 = arith.constant 0 : index
    %get3A_335 = arith.constant 0 : index
    %get3A_336 = vector.load %arg2[%get3A_333, %get3A_334, %get3A_335] : memref<9x512x384xf32, #tpu.memory_space<vmem>>, vector<1x512x384xf32>
    %get3A_337 = vector.shape_cast %get3A_336 : vector<1x512x384xf32> to vector<512x384xf32>
    %dot_general3A_338 = arith.constant dense<0.000000e+00> : vector<512x1024xf32>
    %dot_general3A_339 = tpu.matmul %get3A_337, %select_n3A_332, %dot_general3A_338 {dimension_numbers = #tpu.dot_dimension_numbers<[1], [0], [0], [1], [0, 0, 1, 1], [], []>, transpose_lhs_hint = false} : vector<512x384xf32>, vector<384x1024xf32>, vector<512x1024xf32> -> vector<512x1024xf32>
    %add3A_340 = arith.addf %add3A_297, %dot_general3A_339 : vector<512x1024xf32>
    %add3A_341 = arith.constant 1 : i32
    %add3A_342 = vector.broadcast %add3A_341 : i32 to vector<1x1024xi32>
    %add3A_343 = arith.addi %select_n3A, %add3A_342 : vector<1x1024xi32>
    %ge3A_344 = arith.constant 0 : i32
    %ge3A_345 = vector.broadcast %ge3A_344 : i32 to vector<1x1024xi32>
    %ge3A_346 = arith.cmpi sge, %add3A_343, %ge3A_345 : vector<1x1024xi32>
    %add3A_347 = arith.constant 1 : i32
    %add3A_348 = vector.broadcast %add3A_347 : i32 to vector<1x1024xi32>
    %add3A_349 = arith.addi %select_n3A, %add3A_348 : vector<1x1024xi32>
    %lt3A_350 = arith.constant 32 : i32
    %lt3A_351 = vector.broadcast %lt3A_350 : i32 to vector<1x1024xi32>
    %lt3A_352 = arith.cmpi slt, %add3A_349, %lt3A_351 : vector<1x1024xi32>
    %and3A_353 = arith.andi %ge3A_346, %lt3A_352 : vector<1x1024xi1>
    %add3A_354 = arith.constant 0 : i32
    %add3A_355 = vector.broadcast %add3A_354 : i32 to vector<1x1024xi32>
    %add3A_356 = arith.addi %select_n3A_45, %add3A_355 : vector<1x1024xi32>
    %ge3A_357 = arith.constant 0 : i32
    %ge3A_358 = vector.broadcast %ge3A_357 : i32 to vector<1x1024xi32>
    %ge3A_359 = arith.cmpi sge, %add3A_356, %ge3A_358 : vector<1x1024xi32>
    %and3A_360 = arith.andi %and3A_353, %ge3A_359 : vector<1x1024xi1>
    %add3A_361 = arith.constant 0 : i32
    %add3A_362 = vector.broadcast %add3A_361 : i32 to vector<1x1024xi32>
    %add3A_363 = arith.addi %select_n3A_45, %add3A_362 : vector<1x1024xi32>
    %lt3A_364 = arith.constant 32 : i32
    %lt3A_365 = vector.broadcast %lt3A_364 : i32 to vector<1x1024xi32>
    %lt3A_366 = arith.cmpi slt, %add3A_363, %lt3A_365 : vector<1x1024xi32>
    %and3A_367 = arith.andi %and3A_360, %lt3A_366 : vector<1x1024xi1>
    %slice3A_368 = vector.extract_strided_slice %get3A_3 {offsets = [0, 32], sizes = [384, 992], strides = [1, 1]} : vector<384x1024xf32> to vector<384x992xf32>
    %slice3A_369 = vector.extract_strided_slice %get3A_3 {offsets = [0, 0], sizes = [384, 32], strides = [1, 1]} : vector<384x1024xf32> to vector<384x32xf32>
    %concatenate3A_370 = tpu.concatenate %slice3A_368, %slice3A_369 in 1 : vector<384x992xf32>, vector<384x32xf32> -> vector<384x1024xf32>
    %jit3A_371 = arith.constant 0.000000e+00 : f32
    %broadcast_in_dim3A_372 = vector.shape_cast %and3A_367 : vector<1x1024xi1> to vector<1x1024xi1>
    %broadcast_in_dim3A_373 = vector.broadcast %broadcast_in_dim3A_372 : vector<1x1024xi1> to vector<384x1024xi1>
    %broadcast_in_dim3A_374 = vector.broadcast %jit3A_371 : f32 to vector<384x1024xf32>
    %select_n3A_375 = arith.select %broadcast_in_dim3A_373, %concatenate3A_370, %broadcast_in_dim3A_374 : vector<384x1024xi1>, vector<384x1024xf32>
    %get3A_376 = arith.constant 7 : index
    %get3A_377 = arith.constant 0 : index
    %get3A_378 = arith.constant 0 : index
    %get3A_379 = vector.load %arg2[%get3A_376, %get3A_377, %get3A_378] : memref<9x512x384xf32, #tpu.memory_space<vmem>>, vector<1x512x384xf32>
    %get3A_380 = vector.shape_cast %get3A_379 : vector<1x512x384xf32> to vector<512x384xf32>
    %dot_general3A_381 = arith.constant dense<0.000000e+00> : vector<512x1024xf32>
    %dot_general3A_382 = tpu.matmul %get3A_380, %select_n3A_375, %dot_general3A_381 {dimension_numbers = #tpu.dot_dimension_numbers<[1], [0], [0], [1], [0, 0, 1, 1], [], []>, transpose_lhs_hint = false} : vector<512x384xf32>, vector<384x1024xf32>, vector<512x1024xf32> -> vector<512x1024xf32>
    %add3A_383 = arith.addf %add3A_340, %dot_general3A_382 : vector<512x1024xf32>
    %add3A_384 = arith.constant 1 : i32
    %add3A_385 = vector.broadcast %add3A_384 : i32 to vector<1x1024xi32>
    %add3A_386 = arith.addi %select_n3A, %add3A_385 : vector<1x1024xi32>
    %ge3A_387 = arith.constant 0 : i32
    %ge3A_388 = vector.broadcast %ge3A_387 : i32 to vector<1x1024xi32>
    %ge3A_389 = arith.cmpi sge, %add3A_386, %ge3A_388 : vector<1x1024xi32>
    %add3A_390 = arith.constant 1 : i32
    %add3A_391 = vector.broadcast %add3A_390 : i32 to vector<1x1024xi32>
    %add3A_392 = arith.addi %select_n3A, %add3A_391 : vector<1x1024xi32>
    %lt3A_393 = arith.constant 32 : i32
    %lt3A_394 = vector.broadcast %lt3A_393 : i32 to vector<1x1024xi32>
    %lt3A_395 = arith.cmpi slt, %add3A_392, %lt3A_394 : vector<1x1024xi32>
    %and3A_396 = arith.andi %ge3A_389, %lt3A_395 : vector<1x1024xi1>
    %add3A_397 = arith.constant 1 : i32
    %add3A_398 = vector.broadcast %add3A_397 : i32 to vector<1x1024xi32>
    %add3A_399 = arith.addi %select_n3A_45, %add3A_398 : vector<1x1024xi32>
    %ge3A_400 = arith.constant 0 : i32
    %ge3A_401 = vector.broadcast %ge3A_400 : i32 to vector<1x1024xi32>
    %ge3A_402 = arith.cmpi sge, %add3A_399, %ge3A_401 : vector<1x1024xi32>
    %and3A_403 = arith.andi %and3A_396, %ge3A_402 : vector<1x1024xi1>
    %add3A_404 = arith.constant 1 : i32
    %add3A_405 = vector.broadcast %add3A_404 : i32 to vector<1x1024xi32>
    %add3A_406 = arith.addi %select_n3A_45, %add3A_405 : vector<1x1024xi32>
    %lt3A_407 = arith.constant 32 : i32
    %lt3A_408 = vector.broadcast %lt3A_407 : i32 to vector<1x1024xi32>
    %lt3A_409 = arith.cmpi slt, %add3A_406, %lt3A_408 : vector<1x1024xi32>
    %and3A_410 = arith.andi %and3A_403, %lt3A_409 : vector<1x1024xi1>
    %slice3A_411 = vector.extract_strided_slice %get3A_3 {offsets = [0, 33], sizes = [384, 991], strides = [1, 1]} : vector<384x1024xf32> to vector<384x991xf32>
    %slice3A_412 = vector.extract_strided_slice %get3A_3 {offsets = [0, 0], sizes = [384, 33], strides = [1, 1]} : vector<384x1024xf32> to vector<384x33xf32>
    %concatenate3A_413 = tpu.concatenate %slice3A_411, %slice3A_412 in 1 : vector<384x991xf32>, vector<384x33xf32> -> vector<384x1024xf32>
    %jit3A_414 = arith.constant 0.000000e+00 : f32
    %broadcast_in_dim3A_415 = vector.shape_cast %and3A_410 : vector<1x1024xi1> to vector<1x1024xi1>
    %broadcast_in_dim3A_416 = vector.broadcast %broadcast_in_dim3A_415 : vector<1x1024xi1> to vector<384x1024xi1>
    %broadcast_in_dim3A_417 = vector.broadcast %jit3A_414 : f32 to vector<384x1024xf32>
    %select_n3A_418 = arith.select %broadcast_in_dim3A_416, %concatenate3A_413, %broadcast_in_dim3A_417 : vector<384x1024xi1>, vector<384x1024xf32>
    %get3A_419 = arith.constant 8 : index
    %get3A_420 = arith.constant 0 : index
    %get3A_421 = arith.constant 0 : index
    %get3A_422 = vector.load %arg2[%get3A_419, %get3A_420, %get3A_421] : memref<9x512x384xf32, #tpu.memory_space<vmem>>, vector<1x512x384xf32>
    %get3A_423 = vector.shape_cast %get3A_422 : vector<1x512x384xf32> to vector<512x384xf32>
    %dot_general3A_424 = arith.constant dense<0.000000e+00> : vector<512x1024xf32>
    %dot_general3A_425 = tpu.matmul %get3A_423, %select_n3A_418, %dot_general3A_424 {dimension_numbers = #tpu.dot_dimension_numbers<[1], [0], [0], [1], [0, 0, 1, 1], [], []>, transpose_lhs_hint = false} : vector<512x384xf32>, vector<384x1024xf32>, vector<512x1024xf32> -> vector<512x1024xf32>
    %add3A_426 = arith.addf %add3A_383, %dot_general3A_425 : vector<512x1024xf32>
    %get3A_427 = arith.constant 0 : index
    %get3A_428 = arith.constant 0 : index
    %get3A_429 = vector.load %arg3[%get3A_427, %get3A_428] : memref<512x1xf32, #tpu.memory_space<vmem>>, vector<512x1xf32>
    %add3A_430 = vector.broadcast %get3A_429 : vector<512x1xf32> to vector<512x1024xf32>
    %add3A_431 = arith.addf %add3A_426, %add3A_430 : vector<512x1024xf32>
    %max3A = arith.constant 0.000000e+00 : f32
    %max3A_432 = vector.broadcast %max3A : f32 to vector<512x1024xf32>
    %max3A_433 = arith.maximumf %add3A_431, %max3A_432 : vector<512x1024xf32>
    %get3A_434 = arith.constant 0 : index
    %get3A_435 = arith.constant 0 : index
    %get3A_436 = vector.load %arg4[%get3A_434, %get3A_435] : memref<48x512xf32, #tpu.memory_space<vmem>>, vector<48x512xf32>
    %dot_general3A_437 = arith.constant dense<0.000000e+00> : vector<48x1024xf32>
    %dot_general3A_438 = tpu.matmul %get3A_436, %max3A_433, %dot_general3A_437 {dimension_numbers = #tpu.dot_dimension_numbers<[1], [0], [0], [1], [0, 0, 1, 1], [], []>, transpose_lhs_hint = false} : vector<48x512xf32>, vector<512x1024xf32>, vector<48x1024xf32> -> vector<48x1024xf32>
    %get3A_439 = arith.constant 0 : index
    %get3A_440 = arith.constant 0 : index
    %get3A_441 = vector.load %arg5[%get3A_439, %get3A_440] : memref<48x1xf32, #tpu.memory_space<vmem>>, vector<48x1xf32>
    %add3A_442 = vector.broadcast %get3A_441 : vector<48x1xf32> to vector<48x1024xf32>
    %add3A_443 = arith.addf %dot_general3A_438, %add3A_442 : vector<48x1024xf32>
    %swap3A = arith.constant 0 : index
    %swap3A_444 = arith.constant 0 : index
    %swap3A_445 = arith.constant 0 : index
    %swap3A_446 = vector.load %arg6[%swap3A, %swap3A_444, %swap3A_445] : memref<1x48x1024xf32, #tpu.memory_space<vmem>>, vector<1x48x1024xf32>
    %swap3A_447 = vector.shape_cast %swap3A_446 : vector<1x48x1024xf32> to vector<48x1024xf32>
    %swap3A_448 = vector.shape_cast %add3A_443 : vector<48x1024xf32> to vector<1x48x1024xf32>
    tpu.vector_store %arg6[%swap3A, %swap3A_444, %swap3A_445], %swap3A_448 {strides = array<i32>} : memref<1x48x1024xf32, #tpu.memory_space<vmem>>, vector<1x48x1024xf32>,
    return
  }
  func.func @transform_0(%arg0: i32) -> (i32, i32, i32) {
    %c0_i32 = arith.constant 0 : i32
    %c0_i32_0 = arith.constant 0 : i32
    %c0_i32_1 = arith.constant 0 : i32
    return %arg0, %c0_i32, %c0_i32_0 : i32, i32, i32
  }
  func.func @transform_1(%arg0: i32) -> (i32, i32, i32) {
    %c0_i32 = arith.constant 0 : i32
    %c0_i32_0 = arith.constant 0 : i32
    %c0_i32_1 = arith.constant 0 : i32
    %c0_i32_2 = arith.constant 0 : i32
    return %c0_i32, %c0_i32_0, %c0_i32_1 : i32, i32, i32
  }
  func.func @transform_2(%arg0: i32) -> (i32, i32) {
    %c0_i32 = arith.constant 0 : i32
    %c0_i32_0 = arith.constant 0 : i32
    %c0_i32_1 = arith.constant 0 : i32
    return %c0_i32, %c0_i32_0 : i32, i32
  }
  func.func @transform_3(%arg0: i32) -> (i32, i32) {
    %c0_i32 = arith.constant 0 : i32
    %c0_i32_0 = arith.constant 0 : i32
    %c0_i32_1 = arith.constant 0 : i32
    return %c0_i32, %c0_i32_0 : i32, i32
  }
  func.func @transform_4(%arg0: i32) -> (i32, i32) {
    %c0_i32 = arith.constant 0 : i32
    %c0_i32_0 = arith.constant 0 : i32
    %c0_i32_1 = arith.constant 0 : i32
    return %c0_i32, %c0_i32_0 : i32, i32
  }
  func.func @transform_5(%arg0: i32) -> (i32, i32, i32) {
    %c0_i32 = arith.constant 0 : i32
    %c0_i32_0 = arith.constant 0 : i32
    %c0_i32_1 = arith.constant 0 : i32
    return %arg0, %c0_i32, %c0_i32_0 : i32, i32, i32
  }
}

</mosaic_0001>

<sc_bundles>
// kernel: gather_offload_async_start
scs
__scs_entry_jumppad:
0x0: {  	(pc) =	sbr.rel $0x88, $3  }
0x1: {  	(tag) =	ssettag $0x0;
	lr =	simm.s32 $0x1  }
0x2: {  	[smem:$0x3F9A] =	sst lr;
	_ =	strace $0xD0000000  }
0x3: {  	_ = 	snop  }
0x4: {  	_ = 	snop  }
0x5: {  	_ = 	snop  }
0x6: {  	_ = 	snop  }
0x7: {  	_ = 	snop  }
__scs_overlays_trampoline_lowered:
0x8: {  	[smem:$0x3FA9] =	sst s0  }
0x9: {  	[smem:$0x3FAA] =	sst s1  }
0xa: {  	[smem:$0x3FAB] =	sst s2  }
0xb: {  	[smem:$0x3FAC] =	sst s3  }
0xc: {  	[smem:$0x3FAD] =	sst s4  }
0xd: {  	[smem:$0x3FAE] =	sst s5  }
0xe: {  	[smem:$0x3FAF] =	sst s6  }
0xf: {  	[smem:$0x3FB0] =	sst s7  }
0x10: {  	[smem:$0x3FB1] =	sst s8  }
0x11: {  	[smem:$0x3FB2] =	sst s9;
	s0 =	simm.s32 @!p0 $0x0  }
0x12: {  	s1 =	sld [smem:$0x3F98];
	s0 =	simm.s32 @p0 $0x1  }
0x13: {  	[smem:$0x3FB3] =	sst s0;
	s0 =	simm.s32 @!p1 $0x0  }
0x14: {  	s2 =	sld [smem:$0x3F97];
	s0 =	simm.s32 @p1 $0x1  }
0x15: {  	[smem:$0x3FB4] =	sst s0;
	s0 =	simm.s32 @!p2 $0x0  }
0x16: {  	s3 =	sld [smem:$0x3FDB];
	s0 =	simm.s32 @p2 $0x1  }
0x17: {  	s4 =	simm.s32 $0x1BF5;
	[smem:$0x3FB6] =	sst s0  }
0x18: {  	s0 =	sld [smem:$0x3F99];
	_ =	swait.ge [sflag:s4], $0x0  }
0x19: {  	s7 =	sld [smem:$0x3F9A]  }
0x1a: {  	s8 =	sadd.s32 $0xFFFFE003, lr  }
0x1b: {  	s9 =	sadd.s32 $0xFFFFFEF7, lr;
	s5 =	simm.s32 $0xFFFFFFFF;
	p2 =	slt.u32 s8, $0xFFFFF086  }
0x1c: {  	p1 =	slt.u32 s9, $0xF7A;
	s5 =	simm.s32 @!p2 $0x0  }
0x1d: {  	s5 =	simm.s32 @p1 $0x1;
	p0 =	seq.s32 s7, s2  }
0x1e: {  	s7 =	smul.u32 @!p0 $0xF7A, s2;
	p2 =	seq.s32 @!p0 s5, $0x0  }
0x1f: {  	s9 =	smul.u32 $0xF7A, s1;
	s8 =	simm.s32 @!p0 $0x1BF5;
	p2 =	por !p2, p0  }
0x20: {  	[sflag:s8] =	ssyncset.s32 @!p0 $0xFFFFF086;
	s6 =	sadd.s32 @!p0 s3, s7;
	s7 =	simm.s32 @!p0 $0x108  }
0x21: {  	s3 =	sadd.s32 s3, s9;
	s6 =	sadd.s32 @!p0 $0x88, s6;
	s7 =	simm.s32 @p2 $0x1082  }
0x22: {  	[simem:s7], [sflag:s8] =	dma.local @!p0 [hbm:s6], $0xF7A  }
0x23: {  	s9 =	sor.u32 $0xD0000000, s2;
	s6 =	simm.s32 $0x108;
	_ =	swait.ge @!p0 [sflag:s8], $0x0  }
0x24: {  	s3 =	sadd.s32 $0x88, s3;
	s6 =	simm.s32 @!p1 $0x1082;
	[sflag:s4] =	ssyncset.s32 $0xFFFFF086  }
0x25: {  	[simem:s6], [sflag:s4] =	dma.local [hbm:s3], $0xF7A  }
0x26: {  	[smem:$0x3F9A] =	sst s1;
	(tag) =	ssettag s2;
	_ =	strace s9  }
0x27: {  	s1 =	sld [smem:$0x3FAA]  }
0x28: {  	s2 =	sld [smem:$0x3FAB]  }
0x29: {  	s4 =	sld [smem:$0x3FAD]  }
0x2a: {  	p0 =	seq.s32 s5, $0x0;
	s5 =	sld [smem:$0x3FAE]  }
0x2b: {  	s6 =	sld [smem:$0x3FAF]  }
0x2c: {  	s7 =	sld [smem:$0x3FB0]  }
0x2d: {  	s3 =	simm.s32 $0x108;
	s8 =	sld [smem:$0x3FB1]  }
0x2e: {  	s3 =	simm.s32 @!p0 $0x1082;
	s9 =	sld [smem:$0x3FB2]  }
0x2f: {  	lr =	sadd.s32 s0, s3;
	s0 =	sld [smem:$0x3FA9]  }
0x30: {  	s3 =	sld [smem:$0x3FAC]  }
0x31: {  	[smem:$0x3FB5] =	sst s10  }
0x32: {  	s10 =	sld [smem:$0x3FB3];
	_ =	sdelay $0x3  }
0x33: {  	p0 =	seq.s32 s10, $0x1;
	s10 =	sld [smem:$0x3FB5];
	_ =	sdelay $0x3  }
0x34: {  	[smem:$0x3FB5] =	sst s10  }
0x35: {  	s10 =	sld [smem:$0x3FB4];
	_ =	sdelay $0x3  }
0x36: {  	p1 =	seq.s32 s10, $0x1;
	s10 =	sld [smem:$0x3FB5];
	_ =	sdelay $0x3  }
0x37: {  	[smem:$0x3FB5] =	sst s10  }
0x38: {  	s10 =	sld [smem:$0x3FB6]  }
0x39: {  	_ = 	snop;
	(pc) =	sbr.ind lr, $3  }
0x3a: {  	_ = 	snop  }
0x3b: {  	_ = 	snop  }
0x3c: {  	p2 =	seq.s32 s10, $0x1;
	s10 =	sld [smem:$0x3FB5]  }
0x3d: {  	_ =	shalt  }
0x3e: {  	_ =	shalt  }
0x3f: {  	_ =	shalt  }
0x40: {  	_ =	shalt  }
0x41: {  	_ =	shalt  }
0x42: {  	_ =	shalt  }
0x43: {  	_ =	shalt  }
0x44: {  	_ =	shalt  }
0x45: {  	_ =	shalt  }
0x46: {  	_ =	shalt  }
0x47: {  	_ =	shalt  }
0x48: {  	_ =	shalt  }
0x49: {  	_ =	shalt  }
0x4a: {  	_ =	shalt  }
0x4b: {  	_ =	shalt  }
0x4c: {  	_ =	shalt  }
0x4d: {  	_ =	shalt  }
0x4e: {  	_ =	shalt  }
0x4f: {  	_ =	shalt  }
0x50: {  	_ =	shalt  }
0x51: {  	_ =	shalt  }
0x52: {  	_ =	shalt  }
0x53: {  	_ =	shalt  }
0x54: {  	_ =	shalt  }
0x55: {  	_ =	shalt  }
0x56: {  	_ =	shalt  }
0x57: {  	_ =	shalt  }
0x58: {  	_ =	shalt  }
0x59: {  	_ =	shalt  }
0x5a: {  	_ =	shalt  }
0x5b: {  	_ =	shalt  }
0x5c: {  	_ =	shalt  }
0x5d: {  	_ =	shalt  }
0x5e: {  	_ =	shalt  }
0x5f: {  	_ =	shalt  }
0x60: {  	_ =	shalt  }
0x61: {  	_ =	shalt  }
0x62: {  	_ =	shalt  }
0x63: {  	_ =	shalt  }
0x64: {  	_ =	shalt  }
0x65: {  	_ =	shalt  }
0x66: {  	_ =	shalt  }
0x67: {  	_ =	shalt  }
0x68: {  	_ =	shalt  }
0x69: {  	_ =	shalt  }
0x6a: {  	_ =	shalt  }
0x6b: {  	_ =	shalt  }
0x6c: {  	_ =	shalt  }
0x6d: {  	_ =	shalt  }
0x6e: {  	_ =	shalt  }
0x6f: {  	_ =	shalt  }
0x70: {  	_ =	shalt  }
0x71: {  	_ =	shalt  }
0x72: {  	_ =	shalt  }
0x73: {  	_ =	shalt  }
0x74: {  	_ =	shalt  }
0x75: {  	_ =	shalt  }
0x76: {  	_ =	shalt  }
0x77: {  	_ =	shalt  }
0x78: {  	_ =	shalt  }
0x79: {  	_ =	shalt  }
0x7a: {  	_ =	shalt  }
0x7b: {  	_ =	shalt  }
0x7c: {  	_ =	shalt  }
0x7d: {  	_ =	shalt  }
0x7e: {  	_ =	shalt  }
0x7f: {  	_ =	shalt  }
0x80: {  	_ =	shalt  }
0x81: {  	_ =	shalt  }
0x82: {  	_ =	shalt  }
0x83: {  	_ =	shalt  }
0x84: {  	_ =	shalt  }
0x85: {  	_ =	shalt  }
0x86: {  	_ =	shalt  }
0x87: {  	_ =	shalt  }
.Lfunc_end0:
.L_simem_size_0:
called_computation_lowered:
.L_overlay_start_0:
0x88: {  	s2 =	sld [smem:$0x3FD9]  }
0x89: {  	s3 =	sld [smem:$0x3FFE];
	_ =	sdelay $0x1  }
0x8a: {  	s1 =	srdreg.scid  }
0x8b: {  	s0 =	sand.u32 $0x1, s1  }
0x8c: {  	s14 =	sshll.u32 s0, $0xA;
	s2 =	sadd.s32 s3, s2  }
0x8d: {  	s2 =	sadd.s32 s2, s14  }
0x8e: {  	[smem:$0x3FC1] =	sst s2  }
0x8f: {  	_ = 	snop  }
0x90: {  	s2 =	sld [smem:$0x3FD0];
	_ =	sdelay $0x2  }
0x91: {  	s15 =	simm.s32 $0xA;
	s4 =	simm.s32 $0x10  }
0x92: {  	[smem:s4], [sflag:s15] =	dma.local [hbm:s2], $0x1  }
0x93: {  	_ =	swait.eq [sflag:s15], $0x1  }
0x94: {  	[sflag:s15] =	ssyncset.done $0x0  }
0x95: {  	[sflag:s15] =	ssyncadd.s32 $0xFFFFFFFF  }
0x96: {  	s16 =	sld [smem:$0x10];
	(tm) =	ssettm $0x1  }
0x97: {  	s17 =	sld [smem:$0x3FFB];
	_ =	sdelay $0x3  }
0x98: {  	_ =	strace s17  }
0x99: {  	s3 =	sld [smem:$0x3FFC];
	_ =	sdelay $0x3  }
0x9a: {  	_ =	strace s3  }
0x9b: {  	s3 =	sld [smem:$0x3FFD];
	_ =	sdelay $0x3  }
0x9c: {  	_ =	strace s3  }
0x9d: {  	_ =	strace $0x8FFFFFFF  }
0x9e: {  	s18 =	sld [smem:$0x3FDB];
	_ =	sdelay $0x1  }
0x9f: {  	s19 =	simm.s32 $_scs_section_size  }
0xa0: {  	s5 =	simm.s32 $_size__tile_overlayer_lowered;
	s6 =	simm.s32 $_tile_overlayer_lowered  }
0xa1: {  	s22 =	simm.s32 $0x1BFF;
	s21 =	sshll.u32 s6, $0x1;
	s3 =	sadd.s32 s19, s18  }
0xa2: {  	s7 =	simm.s32 $0x0;
	s20 =	sshll.u32 s5, $0x1;
	s5 =	sadd.s32 s21, s3  }
0xa3: {  	[timem:s7], [sflag:s22] =	dma.local [hbm:s5], s20  }
0xa4: {  	_ =	swait.ge [sflag:s22], s20  }
0xa5: {  	s4 =	ssub.s32 $0x0, s20;
	[sflag:s22] =	ssyncset.done $0x0  }
0xa6: {  	[sflag:s22] =	ssyncadd.s32 s4;
	_ =	sdelay $0x1  }
0xa7: {  	s23 =	simm.s32 $0x1B8B  }
0xa8: {  	_ =	swait.ge [sflag:s23], $0x1  }
0xa9: {  	[sflag:s23] =	ssyncset.done $0x0  }
0xaa: {  	s25 =	simm.s32 $0x1B8E;
	s24 =	sld [smem:$0x3FFE];
	[sflag:s23] =	ssyncadd.s32 $0xFFFFFFFF  }
0xab: {  	s26 =	simm.s32 $execute0_lowered;
	[smem:$0x3FD2] =	sst s25  }
0xac: {  	s5 =	sshll.u32 s26, $0x1;
	_ =	strace $0x80000046;
	[dreg:$0x1] =	wrdreg $0xFFFFFFFF  }
0xad: {  	s28 =	simm.s32 $_size_execute0_lowered;
	s3 =	sadd.s32 s3, s5;
	[dreg:$0x0] =	wrdreg $0x0  }
0xae: {  	s5 =	sshll.u32 s28, $0x1;
	[dreg:$0x2] =	wrdreg s3  }
0xaf: {  	[dreg:$0x3] =	wrdreg s5  }
0xb0: {  	[dreg:$0x4] =	wrdreg $0xC0  }
0xb1: {  	_ =	task [dreg:s7], $0x5FFFF  }
0xb2: {  	[dreg:$0x1] =	wrdreg $0xFFFFFFFF  }
0xb3: {  	[dreg:$0x0] =	wrdreg $0x60  }
0xb4: {  	[dreg:$0x2] =	wrdreg s24  }
0xb5: {  	[dreg:$0x3] =	wrdreg s16  }
0xb6: {  	[dreg:$0x4] =	wrdreg $0x9  }
0xb7: {  	_ =	task.clear_ibuf [dreg:s7], $0x5FFFF;
	_ =	strace $0x90000046  }
0xb8: {  	s29 =	simm.s32 $0x9;
	_ =	strace $0x80000048  }
0xb9: {  	_ =	swait.ge [sflag:s29], $0x1  }
0xba: {  	[sflag:s29] =	ssyncadd.s32 $0xFFFFFFFF  }
0xbb: {  	_ =	strace $0x90000048  }
0xbc: {  	_ =	sfence  }
0xbd: {  	s30 =	sld [smem:$0x0];
	_ =	sdelay $0x2  }
0xbe: {  	s31 =	sshll.u32 s1, $0xD;
	s1 =	sshrl.u32 s1, $0x2  }
0xbf: {  	s3 =	sand.u32 $0x4000, s31;
	s1 =	sadd.s32 s1, s30  }
0xc0: {  	s0 =	sor.u32 s3, s0;
	s1 =	sshll.u32 s1, $0x11  }
0xc1: {  	s0 =	sor.u32 s1, s0  }
0xc2: {  	s0 =	sadd.s32 $0x8F2B, s0  }
0xc3: {  	[sflag:s0] =	ssyncadd.remote.s32 $0x1  }
0xc4: {  	_ =	sfence.sel $0xFFFF  }
0xc5: {  	[dreg:$0x0] =	wrdreg $0xFFFFFFFF;
	(pc) =	sbr.abs _section_cstart, $3  }
0xc6: {  	[dreg:$0x1] =	wrdreg $0xFFFFFFFF  }
0xc7: {  	_ =	task.clear_ibuf [dreg:s7], $0x2FFFF;
	_ =	strace $0x9FFFFFFF  }
0xc8: {  	(tm) =	ssettm $0x7FFFFFFF  }
0xc9: {  	_ =	shalt  }
tec
execute0_lowered:
.L_overlay_start_1:
0x0: {  	(tag) =	ssettag $0x1  }
0x1: {  	s2 =	rddreg [dreg:$0x0]  }
0x2: {  	s3 =	rddreg [dreg:$0x1]  }
0x3: {  	s0 =	rddreg [dreg:$0x2];
	s1 =	srdreg.scid;
	_ =	strace $0x80000047  }
0x4: {  	s4 =	simm.s32 $0x1;
	s9 =	simm.s32 $0x3;
	s5 =	sshll.u32 s1, $0x4  }
.Ltmp0:
0x5: {  	s1 =	stileid.u32;
	s5 =	sand.u32 $0x10, s5;
	(pc) =	sbr.rel .LBB2_1-.Ltmp0, $4  }
0x6: {  	s12 =	simm.s32 $0x0;
	s10 =	simm.s32 $0x0;
	s6 =	sor.u32 s1, s5  }
0x7: {  	[sflag:s4] =	ssyncpa.u1 $0x0;
	s5 =	simm.s32 $0x2;
	s6 =	sshll.u32 s6, $0x7  }
0x8: {  	s7 =	sadd.s32 $0x120000, s2;
	[sflag:s5] =	ssyncpa.u1 $0x0;
	s8 =	sadd.s32 $0x80, s6  }
0x9: {  	vm0 =	vmmov $0xff;
	vm1 =	vcmask $0x3F20;
	[sflag:s9] =	ssyncpa.u1 $0x0;
	s9 =	simm.s32 $0x80;
	s11 =	smov.u32 s6  }
.LBB2_9:
0xa: {  	p0 =	seq.s32 s10, $0x2  }
.Ltmp1:
0xb: {  	_ = 	snop;
	(pc) =	sbr.rel @p0 .LBB2_11-.Ltmp1, $1  }
0xc: {  	_ =	sdelay $0x3  }
.LBB2_10:
0xd: {  	s12 =	sadd.s32 $0x80, s11  }
0xe: {  	s13 =	smov.u32 s6;
	p0 =	slt.s32 s12, s8  }
0xf: {  	s13 =	smov.u32 @p0 s12  }
0x10: {  	s10 =	sadd.s32 $0x1, s10;
	s12 =	smov.u32 s11;
	s11 =	smov.u32 s13  }
.LBB2_1:
0x11: {  	p0 =	sne.s32 s10, $0x0  }
.Ltmp2:
0x12: {  	_ = 	snop;
	(pc) =	sbr.rel @!p0 .LBB2_2-.Ltmp2, $1  }
0x13: {  	_ =	sdelay $0x3  }
0x14: {  	s13 =	sand.u32 $0x1, s10  }
0x15: {  	p0 =	seq.s32 s13, $0x0  }
.Ltmp3:
0x16: {  	_ = 	snop;
	(pc) =	sbr.rel @p0 .LBB2_9-.Ltmp3, $1  }
0x17: {  	_ =	sdelay $0x3  }
0x18: {  	_ =	swait.ge [sflag:s5], $0x80  }
0x19: {  	[sflag:s5] =	ssyncset.done $0x0  }
0x1a: {  	s13 =	simm.s32 $0x0;
	[sflag:s5] =	ssyncadd.s32 $0xFFFFFF80  }
0x1b: {  	v0 =	vld.msk [tilespmem:s13+$0x80 ss:$0x1], $0xffff;
	_ =	sdelay $0x4  }
0x1c: {  	v1 =	vand.u32 $0x7, v0;
	v2 =	vshll.u32 v0, $0x4  }
0x1d: {  	vm2 =	veq.s32 v0, $0x80000000;
	v0 =	vmul.u32 $0x120000, v1;
	v1 =	vand.u32 $0x1FFF80, v2  }
0x1e: {  	v1 =	vsel vm2, $0xFFFFFF80, v1  }
0x1f: {  	v0 =	vsel vm2, $0xFFEE0000, v0;
	v2 =	vand.u32 $0xFFFFFC00, v1  }
0x20: {  	v1 =	vand.u32 $0x380, v1;
	v0 =	vadd.s32 v0, v2  }
0x21: {  	v0 =	vor.u32 v1, v0  }
0x22: {  	v0 =	vshrl.u32 v0, $0x3;
	_ =	sdelay $0x3  }
0x23: {  	s13 =	simm.s32 $0x4100  }
0x24: {  	[tilespmem:s13], [sflag:$0x1] =	stream.indirect_vreg.gather [hbm:s2], $0x80, v0, vm0, $0x38;
	[tilespmem:$0x8100] =	vst v63  }
0x25: {  	s14 =	simm.s32 $0x4500;
	s31 =	simm.s32 $0x10  }
0x26: {  	[tilespmem:s14], [sflag:$0x1] =	stream.indirect_vreg.gather [hbm:s2], $0x80, v0, vm1, $0x38;
	[tilespmem:$0x8100] =	vst v63  }
0x27: {  	s14 =	simm.s32 $0x80;
	v0 =	vld.msk [tilespmem:s31+$0x80 ss:$0x1], $0xffff  }
.LBB2_5:
0x28: {  	p0 =	sne.s32 s14, $0x1C0;
	_ =	sdelay $0x4  }
0x29: {  	v1 =	vand.u32 $0x7, v0;
	v2 =	vshll.u32 v0, $0x4  }
0x2a: {  	vm2 =	veq.s32 v0, $0x80000000;
	v0 =	vmul.u32 $0x120000, v1;
	v1 =	vand.u32 $0x1FFF80, v2  }
0x2b: {  	v1 =	vsel vm2, $0xFFFFFF80, v1  }
0x2c: {  	v0 =	vsel vm2, $0xFFEE0000, v0;
	v2 =	vand.u32 $0xFFFFFC00, v1  }
0x2d: {  	v1 =	vand.u32 $0x380, v1;
	v0 =	vadd.s32 v0, v2  }
0x2e: {  	v0 =	vor.u32 v1, v0  }
0x2f: {  	v0 =	vshrl.u32 v0, $0x3;
	_ =	sdelay $0x3  }
.Ltmp4:
0x30: {  	s13 =	sadd.s32 $0x800, s13;
	(pc) =	sbr.rel @p0 .LBB2_5-.Ltmp4, $4  }
0x31: {  	[tilespmem:s13], [sflag:$0x1] =	stream.indirect_vreg.gather [hbm:s2], $0x80, v0, vm0, $0x38;
	[tilespmem:$0x8100] =	vst v63  }
0x32: {  	s15 =	sshra.s32 s14, $0x2;
	s16 =	sadd.s32 $0x400, s13  }
0x33: {  	[tilespmem:s16], [sflag:$0x1] =	stream.indirect_vreg.gather [hbm:s2], $0x80, v0, vm1, $0x38;
	[tilespmem:$0x8100] =	vst v63  }
0x34: {  	s14 =	sadd.s32 $0x40, s14;
	v0 =	vld.msk [tilespmem:s15+$0x80 ss:$0x1], $0xffff  }
0x35: {  	_ =	sdelay $0x3  }
0x36: {  	v1 =	vand.u32 $0x7, v0;
	v2 =	vshll.u32 v0, $0x4  }
0x37: {  	vm2 =	veq.s32 v0, $0x80000000;
	v61 =	vmul.u32 $0x120000, v1;
	v62 =	vand.u32 $0x1FFF80, v2  }
0x38: {  	v1 =	vsel vm2, $0xFFFFFF80, v62  }
0x39: {  	v0 =	vsel vm2, $0xFFEE0000, v61;
	v63 =	vand.u32 $0xFFFFFC00, v1  }
0x3a: {  	v1 =	vand.u32 $0x380, v1;
	v0 =	vadd.s32 v0, v63  }
0x3b: {  	v0 =	vor.u32 v1, v0  }
0x3c: {  	v0 =	vshrl.u32 v0, $0x3;
	_ =	sdelay $0x3  }
0x3d: {  	s13 =	sadd.s32 $0x800, s13  }
0x3e: {  	[tilespmem:s13], [sflag:$0x1] =	stream.indirect_vreg.gather [hbm:s2], $0x80, v0, vm0, $0x38;
	[tilespmem:$0x8100] =	vst v63  }
0x3f: {  	s13 =	sadd.s32 $0x400, s13  }
0x40: {  	[tilespmem:s13], [sflag:$0x1] =	stream.indirect_vreg.gather [hbm:s2], $0x80, v0, vm1, $0x38;
	[tilespmem:$0x8100] =	vst v63  }
0x41: {  	s12 =	sshll.u32 s12, $0x4;
	s14 =	simm.s32 $0x80;
	_ =	swait.ge [sflag:s4], $0x4000  }
0x42: {  	s15 =	simm.s32 $0x4500;
	s12 =	sadd.s32 s12, s7;
	[sflag:s4] =	ssyncset.done $0x0  }
0x43: {  	s16 =	sadd.s32 $0x0, s12;
	s13 =	simm.s32 $0x4100;
	[sflag:s4] =	ssyncadd.s32 $0xFFFFC000  }
.LBB2_7:
0x44: {  	[hbm:s16] =	stream.linear.scatter [tilespmem:s13], [sflag:$0x3], $0x400, $0x38;
	[tilespmem:$0x8100] =	vst v63  }
0x45: {  	s16 =	smov.u32 s14;
	s13 =	smov.u32 s15;
	p0 =	sne.s32 s14, $0x780  }
.Ltmp5:
0x46: {  	s14 =	sadd.s32 $0x80, s14;
	(pc) =	sbr.rel @p0 .LBB2_7-.Ltmp5, $2  }
0x47: {  	_ =	sdelay $0x2  }
0x48: {  	s15 =	sadd.s32 $0x400, s15;
	s16 =	sadd.s32 s16, s12  }
.Ltmp6:
0x49: {  	(pc) =	sbr.rel .LBB2_9-.Ltmp6, $2  }
0x4a: {  	_ =	sdelay $0x2  }
0x4b: {  	[hbm:s16] =	stream.linear.scatter [tilespmem:s13], [sflag:$0x3], $0x400, $0x38;
	[tilespmem:$0x8100] =	vst v63  }
.LBB2_2:
.Ltmp7:
0x4c: {  	(pc) =	sbr.rel .LBB2_10-.Ltmp7, $4  }
0x4d: {  	_ = 	snop  }
0x4e: {  	s12 =	sshrl.u32 s11, $0x3  }
0x4f: {  	s13 =	sand.u32 $0x7, s11;
	s12 =	sadd.s32 s3, s12  }
0x50: {  	[tilespmem:s9], [sflag:$0x2] =	stream.linear.gather [hbm4b:s12+s13], $0x80, $0x38;
	[tilespmem:$0x8100] =	vst v63  }
.LBB2_11:
0x51: {  	s2 =	simm.s32 $0x3  }
0x52: {  	_ =	swait.ge [sflag:s2], $0x4000  }
0x53: {  	[sflag:s2] =	ssyncset.done $0x0  }
0x54: {  	[sflag:s2] =	ssyncadd.s32 $0xFFFFC000  }
0x55: {  	_ =	sfence.sel $0x180000  }
0x56: {  	s3 =	simm.s32 $0x2;
	[bflag:$0x0] =	sbarrier.arrive $0xFFFF  }
0x57: {  	[sflag:s3] =	ssyncpa.u1 $0x1  }
0x58: {  	s31 =	simm.s32 $0x1;
	[sflag:s2] =	ssyncpa.u1 $0x1  }
0x59: {  	[sflag:s31] =	ssyncpa.u1 $0x1  }
0x5a: {  	p0 =	sne.s32 s1, $0x0;
	_ =	strace $0x90000047  }
0x5b: {  	s0 =	sadd.s32 @!p0 $0x100000, s0;
	[bflag:$0x2] =	sbarrier.arrive $0xFFFF  }
0x5c: {  	[sflag:s0] =	ssyncadd.tile.s32 @!p0 $0x1;
	_ =	shalt  }
.Lfunc_end2:
_tile_overlayer_lowered:
.L_overlay_start_2:
0x5d: {  	(tag) =	ssettag $0x2  }
0x5e: {  	s0 =	rddreg [dreg:$0x0];
	s2 =	stileid.u32  }
0x5f: {  	s1 =	rddreg [dreg:$0x1];
	p0 =	sne.s32 s2, $0x0  }
0x60: {  	s3 =	rddreg [dreg:$0x2];
	[bflag:$0x3] =	sbarrier.arrive $0xFFFF;
	s2 =	simm.s32 @!p0 $0x1C01  }
0x61: {  	[timem:s3], [sflag:s2] =	dma.local @!p0 [hbm:s0], s1  }
0x62: {  	s0 =	simm.s32 @!p0 $0x1  }
0x63: {  	_ =	swait.ge @!p0 [sflag:s0], s1  }
0x64: {  	s1 =	ssub.s32 @!p0 $0x0, s1;
	[sflag:s0] =	ssyncset.done @!p0 $0x0  }
0x65: {  	[sflag:s0] =	ssyncadd.s32 @!p0 s1  }
0x66: {  	[bflag:$0x3] =	sbarrier.arrive $0xFFFF  }
0x67: {  	_ =	shalt  }

</sc_bundles>
